<compile_context>
chip_gen: v7x
topology: tpu7x:2x2x1
jax: 0.10.2.dev20260603
libtpu: 0.0.44.dev20260713+nightly
codegen_flags: <defaults>
</compile_context>

<pallas_src>
import functools

import jax
import jax.numpy as jnp
from jax import lax
from jax.experimental import pallas as pl
from jax.experimental.pallas import tpu as pltpu
from jax.experimental.pallas import tpu_sc as plsc

EMB = 128
BATCH = 16384
NC = 2
NS = 16
NW = NC * NS
B_PER_W = BATCH // NW
CHUNK = 128
NCHUNK = B_PER_W // CHUNK


POS_SRC = 8
POS_ROWS = 256
LANES = 16


def _sc_kernel(inp_hbm, pidx_hbm, win_hbm, wpos_hbm, out_hbm,
               idx_v, pidx_v, possrc_v, emb_v, pos_v, sem_g, sem_p, sem_w):
    wid = lax.axis_index("s") * NC + lax.axis_index("c")
    base = wid * B_PER_W
    pltpu.sync_copy(inp_hbm.at[pl.ds(base, B_PER_W)], idx_v)
    pltpu.sync_copy(pidx_hbm.at[pl.ds(0, POS_SRC)], pidx_v)
    gathers = [
        pltpu.async_copy(win_hbm.at[idx_v.at[pl.ds(c * CHUNK, CHUNK)]],
                         emb_v.at[pl.ds(c * CHUNK, CHUNK)], sem_g)
        for c in range(NCHUNK)
    ]
    pltpu.async_copy(wpos_hbm.at[pidx_v], possrc_v, sem_p).wait()

    def rep_body(r, regs):
        for j in range(EMB // LANES):
            pos_v[r, pl.ds(j * LANES, LANES)] = regs[j]
        return regs

    regs0 = tuple(possrc_v[0, pl.ds(j * LANES, LANES)]
                  for j in range(EMB // LANES))
    lax.fori_loop(0, POS_ROWS, rep_body, regs0, unroll=4)

    for g in gathers:
        g.wait()
    writes = [
        pltpu.async_copy(emb_v,
                         out_hbm.at[pl.ds(base, B_PER_W), pl.ds(0, EMB)],
                         sem_w)
    ]
    for k in range(B_PER_W // POS_ROWS):
        writes.append(
            pltpu.async_copy(
                pos_v,
                out_hbm.at[pl.ds(base + k * POS_ROWS, POS_ROWS),
                           pl.ds(EMB, EMB)],
                sem_w))
    for w in writes:
        w.wait()


def kernel(input, input_position, W_in, W_pos):
    inp = input.astype(jnp.int32)
    pos_idx = jnp.full((POS_SRC,), 0, jnp.int32) + jnp.asarray(
        input_position, jnp.int32)

    mesh = plsc.VectorSubcoreMesh(core_axis_name="c", subcore_axis_name="s")
    run = functools.partial(
        pl.kernel,
        mesh=mesh,
        out_type=jax.ShapeDtypeStruct((BATCH, 2 * EMB), jnp.float32),
        scratch_types=[
            pltpu.VMEM((B_PER_W,), jnp.int32),
            pltpu.VMEM((POS_SRC,), jnp.int32),
            pltpu.VMEM((POS_SRC, EMB), jnp.float32),
            pltpu.VMEM((B_PER_W, EMB), jnp.float32),
            pltpu.VMEM((POS_ROWS, EMB), jnp.float32),
            pltpu.SemaphoreType.DMA,
            pltpu.SemaphoreType.DMA,
            pltpu.SemaphoreType.DMA,
        ],
    )(_sc_kernel)
    return run(inp, pos_idx, W_in, W_pos)

# --- scband reference (transcript-rebuilt; emitter-appended) ---
"""Pipeline reference for scband-positional-encoder-64742337020540 (READ-ONLY COPY).

The authoritative reference and input builder live on the scoring server;
editing this copy changes nothing except your own understanding.
"""

import jax, jax.numpy as jnp
import numpy as np

VOCAB = 100000
EMB = 128
MAX_POS = 100
PAD = 0
BATCH = 16384

def setup_inputs(seed: int = 0) -> dict:
    key = jax.random.key(seed)
    k1, k2, k3 = jax.random.split(key, 3)
    inp = jax.random.randint(k1, (BATCH,), 0, VOCAB, dtype=jnp.int64 if jax.config.jax_enable_x64 else jnp.int32)
    W_in = jax.random.normal(k2, (VOCAB, EMB), dtype=jnp.float32)
    W_in = W_in.at[PAD].set(0.0)  # padding_idx row initialized to zero (torch nn.Embedding)
    W_pos = jax.random.normal(k3, (MAX_POS, EMB), dtype=jnp.float32)
    W_pos = W_pos.at[PAD].set(0.0)
    return {"input": inp, "input_position": 5, "W_in": W_in, "W_pos": W_pos}

def reference(input, input_position, W_in, W_pos):
    # embedding lookup with padding_idx semantics: pad rows contribute zero
    emb = jnp.take(W_in, input, axis=0)
    emb = emb * (input != PAD)[:, None].astype(emb.dtype)
    batch_size = input.shape[0]
    positions = jnp.full((batch_size,), input_position, dtype=input.dtype)
    pos_enc = jnp.take(W_pos, positions, axis=0)
    pos_enc = pos_enc * (positions != PAD)[:, None].astype(pos_enc.dtype)
    positional_embedding = jnp.concatenate((emb, pos_enc), axis=1)
    return positional_embedding

if __name__ == "__main__":
    import jax
    _d = setup_inputs()
    print(jax.jit(kernel)(*tuple(_d.values())))

</pallas_src>

<mosaic_0001>
#map = affine_map<(d0, d1) -> (0)>
#map1 = affine_map<(d0, d1) -> (0, 0)>
module attributes {stable_mosaic.version = 14 : i64} {
  func.func @_sc_kernel(%arg0: i32, %arg1: i32, %arg2: memref<16384xi32, #tpu.memory_space<hbm>>, %arg3: memref<8xi32, #tpu.memory_space<hbm>>, %arg4: memref<100000x128xf32, #tpu.memory_space<hbm>>, %arg5: memref<100x128xf32, #tpu.memory_space<hbm>>, %arg6: memref<16384x256xf32, #tpu.memory_space<hbm>>, %arg7: memref<512xi32, #tpu.memory_space<vmem>>, %arg8: memref<8xi32, #tpu.memory_space<vmem>>, %arg9: memref<8x128xf32, #tpu.memory_space<vmem>>, %arg10: memref<512x128xf32, #tpu.memory_space<vmem>>, %arg11: memref<256x128xf32, #tpu.memory_space<vmem>>, %arg12: memref<!tpu.dma_semaphore, #tpu.memory_space<semaphore_mem>>, %arg13: memref<!tpu.dma_semaphore, #tpu.memory_space<semaphore_mem>>, %arg14: memref<!tpu.dma_semaphore, #tpu.memory_space<semaphore_mem>>) attributes {dimension_semantics = [#tpu.dimension_semantics<core_parallel>, #tpu.dimension_semantics<subcore_parallel>], iteration_bounds = array<i64: 2, 16>, scalar_prefetch = 0 : i64, scratch_operands = 8 : i64, tpu.core_type = #tpu.core_type<sc_vector_subcore>, window_params = [{transform_indices = #map}, {transform_indices = #map}, {transform_indices = #map1}, {transform_indices = #map1}, {transform_indices = #map1}]} {
    %mul3A = arith.constant 2 : i32
    %mul3A_0 = arith.muli %arg1, %mul3A : i32
    %add3A = arith.addi %mul3A_0, %arg0 : i32
    %mul3A_1 = arith.constant 512 : i32
    %mul3A_2 = arith.muli %add3A, %mul3A_1 : i32
    "tpu.region"() ({
      %run_scoped3A = tpu.sem_alloc : memref<!tpu.dma_semaphore, #tpu.memory_space<semaphore_mem>>
      %dma_start3A_142 = tpu.memref_slice %arg2[%mul3A_2] : memref<16384xi32, #tpu.memory_space<hbm>> -> memref<512xi32, #tpu.memory_space<hbm>>
      %dma_start3A_143 = tpu.memref_slice %arg2[%mul3A_2] : memref<16384xi32, #tpu.memory_space<hbm>> -> memref<512xi32, #tpu.memory_space<hbm>>
      tpu.enqueue_dma source(%dma_start3A_143 : memref<512xi32, #tpu.memory_space<hbm>>) target(%arg7 : memref<512xi32, #tpu.memory_space<vmem>>) target_semaphore(%run_scoped3A : memref<!tpu.dma_semaphore, #tpu.memory_space<semaphore_mem>>)
      %dma_wait3A_144 = tpu.memref_slice %arg2[%mul3A_2] : memref<16384xi32, #tpu.memory_space<hbm>> -> memref<512xi32, #tpu.memory_space<hbm>>
      %dma_wait3A_145 = tpu.memref_slice %arg2[%mul3A_2] : memref<16384xi32, #tpu.memory_space<hbm>> -> memref<512xi32, #tpu.memory_space<hbm>>
      tpu.wait_dma2 semaphore(%run_scoped3A : memref<!tpu.dma_semaphore, #tpu.memory_space<semaphore_mem>>) src(%dma_wait3A_145 : memref<512xi32, #tpu.memory_space<hbm>>) dst(%arg7 : memref<512xi32, #tpu.memory_space<vmem>>)
      tpu.yield
    }) : () -> ()
    "tpu.region"() ({
      %run_scoped3A = tpu.sem_alloc : memref<!tpu.dma_semaphore, #tpu.memory_space<semaphore_mem>>
      %dma_start3A_142 = arith.constant 0 : i32
      %dma_start3A_143 = tpu.memref_slice %arg3[%dma_start3A_142] : memref<8xi32, #tpu.memory_space<hbm>> -> memref<8xi32, #tpu.memory_space<hbm>>
      %dma_start3A_144 = arith.constant 0 : i32
      %dma_start3A_145 = tpu.memref_slice %arg3[%dma_start3A_144] : memref<8xi32, #tpu.memory_space<hbm>> -> memref<8xi32, #tpu.memory_space<hbm>>
      tpu.enqueue_dma source(%dma_start3A_145 : memref<8xi32, #tpu.memory_space<hbm>>) target(%arg8 : memref<8xi32, #tpu.memory_space<vmem>>) target_semaphore(%run_scoped3A : memref<!tpu.dma_semaphore, #tpu.memory_space<semaphore_mem>>)
      %dma_wait3A_146 = arith.constant 0 : i32
      %dma_wait3A_147 = tpu.memref_slice %arg3[%dma_wait3A_146] : memref<8xi32, #tpu.memory_space<hbm>> -> memref<8xi32, #tpu.memory_space<hbm>>
      %dma_wait3A_148 = arith.constant 0 : i32
      %dma_wait3A_149 = tpu.memref_slice %arg3[%dma_wait3A_148] : memref<8xi32, #tpu.memory_space<hbm>> -> memref<8xi32, #tpu.memory_space<hbm>>
      tpu.wait_dma2 semaphore(%run_scoped3A : memref<!tpu.dma_semaphore, #tpu.memory_space<semaphore_mem>>) src(%dma_wait3A_149 : memref<8xi32, #tpu.memory_space<hbm>>) dst(%arg8 : memref<8xi32, #tpu.memory_space<vmem>>)
      tpu.yield
    }) : () -> ()
    %dma_start3A = arith.constant 0 : i32
    %dma_start3A_3 = arith.constant 0 : i32
    %dma_start3A_4 = tpu.memref_slice %arg10[%dma_start3A, %dma_start3A_3] : memref<512x128xf32, #tpu.memory_space<vmem>> -> memref<128x128xf32, #tpu.memory_space<vmem>>
    %dma_start3A_5 = arith.constant 0 : i32
    %dma_start3A_6 = tpu.memref_slice %arg7[%dma_start3A_5] : memref<512xi32, #tpu.memory_space<vmem>> -> memref<128xi32, #tpu.memory_space<vmem>>
    %dma_start3A_7 = arith.constant 0 : i32
    %dma_start3A_8 = arith.constant 0 : i32
    %dma_start3A_9 = tpu.memref_slice %arg4[%dma_start3A_7, %dma_start3A_8] : memref<100000x128xf32, #tpu.memory_space<hbm>> -> memref<100000x128xf32, #tpu.memory_space<hbm>>
    tpu.enqueue_indirect_dma source(%dma_start3A_9 : memref<100000x128xf32, #tpu.memory_space<hbm>>) target(%dma_start3A_4 : memref<128x128xf32, #tpu.memory_space<vmem>>) offsets(%dma_start3A_6 : memref<128xi32, #tpu.memory_space<vmem>>) semaphore(%arg12 : memref<!tpu.dma_semaphore, #tpu.memory_space<semaphore_mem>>)
    %dma_start3A_10 = arith.constant 128 : i32
    %dma_start3A_11 = arith.constant 0 : i32
    %dma_start3A_12 = tpu.memref_slice %arg10[%dma_start3A_10, %dma_start3A_11] : memref<512x128xf32, #tpu.memory_space<vmem>> -> memref<128x128xf32, #tpu.memory_space<vmem>>
    %dma_start3A_13 = arith.constant 128 : i32
    %dma_start3A_14 = tpu.memref_slice %arg7[%dma_start3A_13] : memref<512xi32, #tpu.memory_space<vmem>> -> memref<128xi32, #tpu.memory_space<vmem>>
    %dma_start3A_15 = arith.constant 0 : i32
    %dma_start3A_16 = arith.constant 0 : i32
    %dma_start3A_17 = tpu.memref_slice %arg4[%dma_start3A_15, %dma_start3A_16] : memref<100000x128xf32, #tpu.memory_space<hbm>> -> memref<100000x128xf32, #tpu.memory_space<hbm>>
    tpu.enqueue_indirect_dma source(%dma_start3A_17 : memref<100000x128xf32, #tpu.memory_space<hbm>>) target(%dma_start3A_12 : memref<128x128xf32, #tpu.memory_space<vmem>>) offsets(%dma_start3A_14 : memref<128xi32, #tpu.memory_space<vmem>>) semaphore(%arg12 : memref<!tpu.dma_semaphore, #tpu.memory_space<semaphore_mem>>)
    %dma_start3A_18 = arith.constant 256 : i32
    %dma_start3A_19 = arith.constant 0 : i32
    %dma_start3A_20 = tpu.memref_slice %arg10[%dma_start3A_18, %dma_start3A_19] : memref<512x128xf32, #tpu.memory_space<vmem>> -> memref<128x128xf32, #tpu.memory_space<vmem>>
    %dma_start3A_21 = arith.constant 256 : i32
    %dma_start3A_22 = tpu.memref_slice %arg7[%dma_start3A_21] : memref<512xi32, #tpu.memory_space<vmem>> -> memref<128xi32, #tpu.memory_space<vmem>>
    %dma_start3A_23 = arith.constant 0 : i32
    %dma_start3A_24 = arith.constant 0 : i32
    %dma_start3A_25 = tpu.memref_slice %arg4[%dma_start3A_23, %dma_start3A_24] : memref<100000x128xf32, #tpu.memory_space<hbm>> -> memref<100000x128xf32, #tpu.memory_space<hbm>>
    tpu.enqueue_indirect_dma source(%dma_start3A_25 : memref<100000x128xf32, #tpu.memory_space<hbm>>) target(%dma_start3A_20 : memref<128x128xf32, #tpu.memory_space<vmem>>) offsets(%dma_start3A_22 : memref<128xi32, #tpu.memory_space<vmem>>) semaphore(%arg12 : memref<!tpu.dma_semaphore, #tpu.memory_space<semaphore_mem>>)
    %dma_start3A_26 = arith.constant 384 : i32
    %dma_start3A_27 = arith.constant 0 : i32
    %dma_start3A_28 = tpu.memref_slice %arg10[%dma_start3A_26, %dma_start3A_27] : memref<512x128xf32, #tpu.memory_space<vmem>> -> memref<128x128xf32, #tpu.memory_space<vmem>>
    %dma_start3A_29 = arith.constant 384 : i32
    %dma_start3A_30 = tpu.memref_slice %arg7[%dma_start3A_29] : memref<512xi32, #tpu.memory_space<vmem>> -> memref<128xi32, #tpu.memory_space<vmem>>
    %dma_start3A_31 = arith.constant 0 : i32
    %dma_start3A_32 = arith.constant 0 : i32
    %dma_start3A_33 = tpu.memref_slice %arg4[%dma_start3A_31, %dma_start3A_32] : memref<100000x128xf32, #tpu.memory_space<hbm>> -> memref<100000x128xf32, #tpu.memory_space<hbm>>
    tpu.enqueue_indirect_dma source(%dma_start3A_33 : memref<100000x128xf32, #tpu.memory_space<hbm>>) target(%dma_start3A_28 : memref<128x128xf32, #tpu.memory_space<vmem>>) offsets(%dma_start3A_30 : memref<128xi32, #tpu.memory_space<vmem>>) semaphore(%arg12 : memref<!tpu.dma_semaphore, #tpu.memory_space<semaphore_mem>>)
    %dma_start3A_34 = arith.constant 0 : i32
    %dma_start3A_35 = arith.constant 0 : i32
    %dma_start3A_36 = tpu.memref_slice %arg5[%dma_start3A_34, %dma_start3A_35] : memref<100x128xf32, #tpu.memory_space<hbm>> -> memref<100x128xf32, #tpu.memory_space<hbm>>
    tpu.enqueue_indirect_dma source(%dma_start3A_36 : memref<100x128xf32, #tpu.memory_space<hbm>>) target(%arg9 : memref<8x128xf32, #tpu.memory_space<vmem>>) offsets(%arg8 : memref<8xi32, #tpu.memory_space<vmem>>) semaphore(%arg13 : memref<!tpu.dma_semaphore, #tpu.memory_space<semaphore_mem>>)
    %dma_wait3A = arith.constant 0 : i32
    %dma_wait3A_37 = arith.constant 0 : i32
    %dma_wait3A_38 = tpu.memref_slice %arg5[%dma_wait3A, %dma_wait3A_37] : memref<100x128xf32, #tpu.memory_space<hbm>> -> memref<100x128xf32, #tpu.memory_space<hbm>>
    tpu.wait_indirect_dma semaphore(%arg13 : memref<!tpu.dma_semaphore, #tpu.memory_space<semaphore_mem>>) src(%dma_wait3A_38 : memref<100x128xf32, #tpu.memory_space<hbm>>) dst(%arg9 : memref<8x128xf32, #tpu.memory_space<vmem>>)
    %get3A = arith.constant 0 : i32
    %get3A_39 = arith.index_cast %get3A : i32 to index
    %get3A_40 = arith.constant 0 : index
    %get3A_41 = tpu.vector_load %arg9[%get3A_39, %get3A_40] {strides = array<i32>} : memref<8x128xf32, #tpu.memory_space<vmem>>, vector<1x16xf32>,
    %get3A_42 = vector.shape_cast %get3A_41 : vector<1x16xf32> to vector<16xf32>
    %get3A_43 = arith.constant 0 : i32
    %get3A_44 = arith.index_cast %get3A_43 : i32 to index
    %get3A_45 = arith.constant 16 : index
    %get3A_46 = tpu.vector_load %arg9[%get3A_44, %get3A_45] {strides = array<i32>} : memref<8x128xf32, #tpu.memory_space<vmem>>, vector<1x16xf32>,
    %get3A_47 = vector.shape_cast %get3A_46 : vector<1x16xf32> to vector<16xf32>
    %get3A_48 = arith.constant 0 : i32
    %get3A_49 = arith.index_cast %get3A_48 : i32 to index
    %get3A_50 = arith.constant 32 : index
    %get3A_51 = tpu.vector_load %arg9[%get3A_49, %get3A_50] {strides = array<i32>} : memref<8x128xf32, #tpu.memory_space<vmem>>, vector<1x16xf32>,
    %get3A_52 = vector.shape_cast %get3A_51 : vector<1x16xf32> to vector<16xf32>
    %get3A_53 = arith.constant 0 : i32
    %get3A_54 = arith.index_cast %get3A_53 : i32 to index
    %get3A_55 = arith.constant 48 : index
    %get3A_56 = tpu.vector_load %arg9[%get3A_54, %get3A_55] {strides = array<i32>} : memref<8x128xf32, #tpu.memory_space<vmem>>, vector<1x16xf32>,
    %get3A_57 = vector.shape_cast %get3A_56 : vector<1x16xf32> to vector<16xf32>
    %get3A_58 = arith.constant 0 : i32
    %get3A_59 = arith.index_cast %get3A_58 : i32 to index
    %get3A_60 = arith.constant 64 : index
    %get3A_61 = tpu.vector_load %arg9[%get3A_59, %get3A_60] {strides = array<i32>} : memref<8x128xf32, #tpu.memory_space<vmem>>, vector<1x16xf32>,
    %get3A_62 = vector.shape_cast %get3A_61 : vector<1x16xf32> to vector<16xf32>
    %get3A_63 = arith.constant 0 : i32
    %get3A_64 = arith.index_cast %get3A_63 : i32 to index
    %get3A_65 = arith.constant 80 : index
    %get3A_66 = tpu.vector_load %arg9[%get3A_64, %get3A_65] {strides = array<i32>} : memref<8x128xf32, #tpu.memory_space<vmem>>, vector<1x16xf32>,
    %get3A_67 = vector.shape_cast %get3A_66 : vector<1x16xf32> to vector<16xf32>
    %get3A_68 = arith.constant 0 : i32
    %get3A_69 = arith.index_cast %get3A_68 : i32 to index
    %get3A_70 = arith.constant 96 : index
    %get3A_71 = tpu.vector_load %arg9[%get3A_69, %get3A_70] {strides = array<i32>} : memref<8x128xf32, #tpu.memory_space<vmem>>, vector<1x16xf32>,
    %get3A_72 = vector.shape_cast %get3A_71 : vector<1x16xf32> to vector<16xf32>
    %get3A_73 = arith.constant 0 : i32
    %get3A_74 = arith.index_cast %get3A_73 : i32 to index
    %get3A_75 = arith.constant 112 : index
    %get3A_76 = tpu.vector_load %arg9[%get3A_74, %get3A_75] {strides = array<i32>} : memref<8x128xf32, #tpu.memory_space<vmem>>, vector<1x16xf32>,
    %get3A_77 = vector.shape_cast %get3A_76 : vector<1x16xf32> to vector<16xf32>
    %scan3A = arith.constant 0 : i32
    %scan3A_78 = arith.constant 256 : i32
    %scan3A_79 = arith.addi %scan3A, %scan3A_78 : i32
    %scan3A_80 = arith.constant 4 : i32
    scf.for %scan3A_142 = %scan3A to %scan3A_79 step %scan3A_80  : i32 {
      %swap3A = arith.index_cast %scan3A_142 : i32 to index
      %swap3A_143 = arith.constant 0 : index
      %swap3A_144 = tpu.vector_load %arg11[%swap3A, %swap3A_143] {strides = array<i32>} : memref<256x128xf32, #tpu.memory_space<vmem>>, vector<1x16xf32>,
      %swap3A_145 = vector.shape_cast %swap3A_144 : vector<1x16xf32> to vector<16xf32>
      %swap3A_146 = vector.shape_cast %get3A_42 : vector<16xf32> to vector<1x16xf32>
      tpu.vector_store %arg11[%swap3A, %swap3A_143], %swap3A_146 {strides = array<i32>} : memref<256x128xf32, #tpu.memory_space<vmem>>, vector<1x16xf32>,
      %swap3A_147 = arith.index_cast %scan3A_142 : i32 to index
      %swap3A_148 = arith.constant 16 : index
      %swap3A_149 = tpu.vector_load %arg11[%swap3A_147, %swap3A_148] {strides = array<i32>} : memref<256x128xf32, #tpu.memory_space<vmem>>, vector<1x16xf32>,
      %swap3A_150 = vector.shape_cast %swap3A_149 : vector<1x16xf32> to vector<16xf32>
      %swap3A_151 = vector.shape_cast %get3A_47 : vector<16xf32> to vector<1x16xf32>
      tpu.vector_store %arg11[%swap3A_147, %swap3A_148], %swap3A_151 {strides = array<i32>} : memref<256x128xf32, #tpu.memory_space<vmem>>, vector<1x16xf32>,
      %swap3A_152 = arith.index_cast %scan3A_142 : i32 to index
      %swap3A_153 = arith.constant 32 : index
      %swap3A_154 = tpu.vector_load %arg11[%swap3A_152, %swap3A_153] {strides = array<i32>} : memref<256x128xf32, #tpu.memory_space<vmem>>, vector<1x16xf32>,
      %swap3A_155 = vector.shape_cast %swap3A_154 : vector<1x16xf32> to vector<16xf32>
      %swap3A_156 = vector.shape_cast %get3A_52 : vector<16xf32> to vector<1x16xf32>
      tpu.vector_store %arg11[%swap3A_152, %swap3A_153], %swap3A_156 {strides = array<i32>} : memref<256x128xf32, #tpu.memory_space<vmem>>, vector<1x16xf32>,
      %swap3A_157 = arith.index_cast %scan3A_142 : i32 to index
      %swap3A_158 = arith.constant 48 : index
      %swap3A_159 = tpu.vector_load %arg11[%swap3A_157, %swap3A_158] {strides = array<i32>} : memref<256x128xf32, #tpu.memory_space<vmem>>, vector<1x16xf32>,
      %swap3A_160 = vector.shape_cast %swap3A_159 : vector<1x16xf32> to vector<16xf32>
      %swap3A_161 = vector.shape_cast %get3A_57 : vector<16xf32> to vector<1x16xf32>
      tpu.vector_store %arg11[%swap3A_157, %swap3A_158], %swap3A_161 {strides = array<i32>} : memref<256x128xf32, #tpu.memory_space<vmem>>, vector<1x16xf32>,
      %swap3A_162 = arith.index_cast %scan3A_142 : i32 to index
      %swap3A_163 = arith.constant 64 : index
      %swap3A_164 = tpu.vector_load %arg11[%swap3A_162, %swap3A_163] {strides = array<i32>} : memref<256x128xf32, #tpu.memory_space<vmem>>, vector<1x16xf32>,
      %swap3A_165 = vector.shape_cast %swap3A_164 : vector<1x16xf32> to vector<16xf32>
      %swap3A_166 = vector.shape_cast %get3A_62 : vector<16xf32> to vector<1x16xf32>
      tpu.vector_store %arg11[%swap3A_162, %swap3A_163], %swap3A_166 {strides = array<i32>} : memref<256x128xf32, #tpu.memory_space<vmem>>, vector<1x16xf32>,
      %swap3A_167 = arith.index_cast %scan3A_142 : i32 to index
      %swap3A_168 = arith.constant 80 : index
      %swap3A_169 = tpu.vector_load %arg11[%swap3A_167, %swap3A_168] {strides = array<i32>} : memref<256x128xf32, #tpu.memory_space<vmem>>, vector<1x16xf32>,
      %swap3A_170 = vector.shape_cast %swap3A_169 : vector<1x16xf32> to vector<16xf32>
      %swap3A_171 = vector.shape_cast %get3A_67 : vector<16xf32> to vector<1x16xf32>
      tpu.vector_store %arg11[%swap3A_167, %swap3A_168], %swap3A_171 {strides = array<i32>} : memref<256x128xf32, #tpu.memory_space<vmem>>, vector<1x16xf32>,
      %swap3A_172 = arith.index_cast %scan3A_142 : i32 to index
      %swap3A_173 = arith.constant 96 : index
      %swap3A_174 = tpu.vector_load %arg11[%swap3A_172, %swap3A_173] {strides = array<i32>} : memref<256x128xf32, #tpu.memory_space<vmem>>, vector<1x16xf32>,
      %swap3A_175 = vector.shape_cast %swap3A_174 : vector<1x16xf32> to vector<16xf32>
      %swap3A_176 = vector.shape_cast %get3A_72 : vector<16xf32> to vector<1x16xf32>
      tpu.vector_store %arg11[%swap3A_172, %swap3A_173], %swap3A_176 {strides = array<i32>} : memref<256x128xf32, #tpu.memory_space<vmem>>, vector<1x16xf32>,
      %swap3A_177 = arith.index_cast %scan3A_142 : i32 to index
      %swap3A_178 = arith.constant 112 : index
      %swap3A_179 = tpu.vector_load %arg11[%swap3A_177, %swap3A_178] {strides = array<i32>} : memref<256x128xf32, #tpu.memory_space<vmem>>, vector<1x16xf32>,
      %swap3A_180 = vector.shape_cast %swap3A_179 : vector<1x16xf32> to vector<16xf32>
      %swap3A_181 = vector.shape_cast %get3A_77 : vector<16xf32> to vector<1x16xf32>
      tpu.vector_store %arg11[%swap3A_177, %swap3A_178], %swap3A_181 {strides = array<i32>} : memref<256x128xf32, #tpu.memory_space<vmem>>, vector<1x16xf32>,
      %scan3A_182 = arith.constant 1 : i32
      %scan3A_183 = arith.addi %scan3A_142, %scan3A_182 : i32
      %swap3A_184 = arith.index_cast %scan3A_183 : i32 to index
      %swap3A_185 = arith.constant 0 : index
      %swap3A_186 = tpu.vector_load %arg11[%swap3A_184, %swap3A_185] {strides = array<i32>} : memref<256x128xf32, #tpu.memory_space<vmem>>, vector<1x16xf32>,
      %swap3A_187 = vector.shape_cast %swap3A_186 : vector<1x16xf32> to vector<16xf32>
      %swap3A_188 = vector.shape_cast %get3A_42 : vector<16xf32> to vector<1x16xf32>
      tpu.vector_store %arg11[%swap3A_184, %swap3A_185], %swap3A_188 {strides = array<i32>} : memref<256x128xf32, #tpu.memory_space<vmem>>, vector<1x16xf32>,
      %swap3A_189 = arith.index_cast %scan3A_183 : i32 to index
      %swap3A_190 = arith.constant 16 : index
      %swap3A_191 = tpu.vector_load %arg11[%swap3A_189, %swap3A_190] {strides = array<i32>} : memref<256x128xf32, #tpu.memory_space<vmem>>, vector<1x16xf32>,
      %swap3A_192 = vector.shape_cast %swap3A_191 : vector<1x16xf32> to vector<16xf32>
      %swap3A_193 = vector.shape_cast %get3A_47 : vector<16xf32> to vector<1x16xf32>
      tpu.vector_store %arg11[%swap3A_189, %swap3A_190], %swap3A_193 {strides = array<i32>} : memref<256x128xf32, #tpu.memory_space<vmem>>, vector<1x16xf32>,
      %swap3A_194 = arith.index_cast %scan3A_183 : i32 to index
      %swap3A_195 = arith.constant 32 : index
      %swap3A_196 = tpu.vector_load %arg11[%swap3A_194, %swap3A_195] {strides = array<i32>} : memref<256x128xf32, #tpu.memory_space<vmem>>, vector<1x16xf32>,
      %swap3A_197 = vector.shape_cast %swap3A_196 : vector<1x16xf32> to vector<16xf32>
      %swap3A_198 = vector.shape_cast %get3A_52 : vector<16xf32> to vector<1x16xf32>
      tpu.vector_store %arg11[%swap3A_194, %swap3A_195], %swap3A_198 {strides = array<i32>} : memref<256x128xf32, #tpu.memory_space<vmem>>, vector<1x16xf32>,
      %swap3A_199 = arith.index_cast %scan3A_183 : i32 to index
      %swap3A_200 = arith.constant 48 : index
      %swap3A_201 = tpu.vector_load %arg11[%swap3A_199, %swap3A_200] {strides = array<i32>} : memref<256x128xf32, #tpu.memory_space<vmem>>, vector<1x16xf32>,
      %swap3A_202 = vector.shape_cast %swap3A_201 : vector<1x16xf32> to vector<16xf32>
      %swap3A_203 = vector.shape_cast %get3A_57 : vector<16xf32> to vector<1x16xf32>
      tpu.vector_store %arg11[%swap3A_199, %swap3A_200], %swap3A_203 {strides = array<i32>} : memref<256x128xf32, #tpu.memory_space<vmem>>, vector<1x16xf32>,
      %swap3A_204 = arith.index_cast %scan3A_183 : i32 to index
      %swap3A_205 = arith.constant 64 : index
      %swap3A_206 = tpu.vector_load %arg11[%swap3A_204, %swap3A_205] {strides = array<i32>} : memref<256x128xf32, #tpu.memory_space<vmem>>, vector<1x16xf32>,
      %swap3A_207 = vector.shape_cast %swap3A_206 : vector<1x16xf32> to vector<16xf32>
      %swap3A_208 = vector.shape_cast %get3A_62 : vector<16xf32> to vector<1x16xf32>
      tpu.vector_store %arg11[%swap3A_204, %swap3A_205], %swap3A_208 {strides = array<i32>} : memref<256x128xf32, #tpu.memory_space<vmem>>, vector<1x16xf32>,
      %swap3A_209 = arith.index_cast %scan3A_183 : i32 to index
      %swap3A_210 = arith.constant 80 : index
      %swap3A_211 = tpu.vector_load %arg11[%swap3A_209, %swap3A_210] {strides = array<i32>} : memref<256x128xf32, #tpu.memory_space<vmem>>, vector<1x16xf32>,
      %swap3A_212 = vector.shape_cast %swap3A_211 : vector<1x16xf32> to vector<16xf32>
      %swap3A_213 = vector.shape_cast %get3A_67 : vector<16xf32> to vector<1x16xf32>
      tpu.vector_store %arg11[%swap3A_209, %swap3A_210], %swap3A_213 {strides = array<i32>} : memref<256x128xf32, #tpu.memory_space<vmem>>, vector<1x16xf32>,
      %swap3A_214 = arith.index_cast %scan3A_183 : i32 to index
      %swap3A_215 = arith.constant 96 : index
      %swap3A_216 = tpu.vector_load %arg11[%swap3A_214, %swap3A_215] {strides = array<i32>} : memref<256x128xf32, #tpu.memory_space<vmem>>, vector<1x16xf32>,
      %swap3A_217 = vector.shape_cast %swap3A_216 : vector<1x16xf32> to vector<16xf32>
      %swap3A_218 = vector.shape_cast %get3A_72 : vector<16xf32> to vector<1x16xf32>
      tpu.vector_store %arg11[%swap3A_214, %swap3A_215], %swap3A_218 {strides = array<i32>} : memref<256x128xf32, #tpu.memory_space<vmem>>, vector<1x16xf32>,
      %swap3A_219 = arith.index_cast %scan3A_183 : i32 to index
      %swap3A_220 = arith.constant 112 : index
      %swap3A_221 = tpu.vector_load %arg11[%swap3A_219, %swap3A_220] {strides = array<i32>} : memref<256x128xf32, #tpu.memory_space<vmem>>, vector<1x16xf32>,
      %swap3A_222 = vector.shape_cast %swap3A_221 : vector<1x16xf32> to vector<16xf32>
      %swap3A_223 = vector.shape_cast %get3A_77 : vector<16xf32> to vector<1x16xf32>
      tpu.vector_store %arg11[%swap3A_219, %swap3A_220], %swap3A_223 {strides = array<i32>} : memref<256x128xf32, #tpu.memory_space<vmem>>, vector<1x16xf32>,
      %scan3A_224 = arith.constant 2 : i32
      %scan3A_225 = arith.addi %scan3A_142, %scan3A_224 : i32
      %swap3A_226 = arith.index_cast %scan3A_225 : i32 to index
      %swap3A_227 = arith.constant 0 : index
      %swap3A_228 = tpu.vector_load %arg11[%swap3A_226, %swap3A_227] {strides = array<i32>} : memref<256x128xf32, #tpu.memory_space<vmem>>, vector<1x16xf32>,
      %swap3A_229 = vector.shape_cast %swap3A_228 : vector<1x16xf32> to vector<16xf32>
      %swap3A_230 = vector.shape_cast %get3A_42 : vector<16xf32> to vector<1x16xf32>
      tpu.vector_store %arg11[%swap3A_226, %swap3A_227], %swap3A_230 {strides = array<i32>} : memref<256x128xf32, #tpu.memory_space<vmem>>, vector<1x16xf32>,
      %swap3A_231 = arith.index_cast %scan3A_225 : i32 to index
      %swap3A_232 = arith.constant 16 : index
      %swap3A_233 = tpu.vector_load %arg11[%swap3A_231, %swap3A_232] {strides = array<i32>} : memref<256x128xf32, #tpu.memory_space<vmem>>, vector<1x16xf32>,
      %swap3A_234 = vector.shape_cast %swap3A_233 : vector<1x16xf32> to vector<16xf32>
      %swap3A_235 = vector.shape_cast %get3A_47 : vector<16xf32> to vector<1x16xf32>
      tpu.vector_store %arg11[%swap3A_231, %swap3A_232], %swap3A_235 {strides = array<i32>} : memref<256x128xf32, #tpu.memory_space<vmem>>, vector<1x16xf32>,
      %swap3A_236 = arith.index_cast %scan3A_225 : i32 to index
      %swap3A_237 = arith.constant 32 : index
      %swap3A_238 = tpu.vector_load %arg11[%swap3A_236, %swap3A_237] {strides = array<i32>} : memref<256x128xf32, #tpu.memory_space<vmem>>, vector<1x16xf32>,
      %swap3A_239 = vector.shape_cast %swap3A_238 : vector<1x16xf32> to vector<16xf32>
      %swap3A_240 = vector.shape_cast %get3A_52 : vector<16xf32> to vector<1x16xf32>
      tpu.vector_store %arg11[%swap3A_236, %swap3A_237], %swap3A_240 {strides = array<i32>} : memref<256x128xf32, #tpu.memory_space<vmem>>, vector<1x16xf32>,
      %swap3A_241 = arith.index_cast %scan3A_225 : i32 to index
      %swap3A_242 = arith.constant 48 : index
      %swap3A_243 = tpu.vector_load %arg11[%swap3A_241, %swap3A_242] {strides = array<i32>} : memref<256x128xf32, #tpu.memory_space<vmem>>, vector<1x16xf32>,
      %swap3A_244 = vector.shape_cast %swap3A_243 : vector<1x16xf32> to vector<16xf32>
      %swap3A_245 = vector.shape_cast %get3A_57 : vector<16xf32> to vector<1x16xf32>
      tpu.vector_store %arg11[%swap3A_241, %swap3A_242], %swap3A_245 {strides = array<i32>} : memref<256x128xf32, #tpu.memory_space<vmem>>, vector<1x16xf32>,
      %swap3A_246 = arith.index_cast %scan3A_225 : i32 to index
      %swap3A_247 = arith.constant 64 : index
      %swap3A_248 = tpu.vector_load %arg11[%swap3A_246, %swap3A_247] {strides = array<i32>} : memref<256x128xf32, #tpu.memory_space<vmem>>, vector<1x16xf32>,
      %swap3A_249 = vector.shape_cast %swap3A_248 : vector<1x16xf32> to vector<16xf32>
      %swap3A_250 = vector.shape_cast %get3A_62 : vector<16xf32> to vector<1x16xf32>
      tpu.vector_store %arg11[%swap3A_246, %swap3A_247], %swap3A_250 {strides = array<i32>} : memref<256x128xf32, #tpu.memory_space<vmem>>, vector<1x16xf32>,
      %swap3A_251 = arith.index_cast %scan3A_225 : i32 to index
      %swap3A_252 = arith.constant 80 : index
      %swap3A_253 = tpu.vector_load %arg11[%swap3A_251, %swap3A_252] {strides = array<i32>} : memref<256x128xf32, #tpu.memory_space<vmem>>, vector<1x16xf32>,
      %swap3A_254 = vector.shape_cast %swap3A_253 : vector<1x16xf32> to vector<16xf32>
      %swap3A_255 = vector.shape_cast %get3A_67 : vector<16xf32> to vector<1x16xf32>
      tpu.vector_store %arg11[%swap3A_251, %swap3A_252], %swap3A_255 {strides = array<i32>} : memref<256x128xf32, #tpu.memory_space<vmem>>, vector<1x16xf32>,
      %swap3A_256 = arith.index_cast %scan3A_225 : i32 to index
      %swap3A_257 = arith.constant 96 : index
      %swap3A_258 = tpu.vector_load %arg11[%swap3A_256, %swap3A_257] {strides = array<i32>} : memref<256x128xf32, #tpu.memory_space<vmem>>, vector<1x16xf32>,
      %swap3A_259 = vector.shape_cast %swap3A_258 : vector<1x16xf32> to vector<16xf32>
      %swap3A_260 = vector.shape_cast %get3A_72 : vector<16xf32> to vector<1x16xf32>
      tpu.vector_store %arg11[%swap3A_256, %swap3A_257], %swap3A_260 {strides = array<i32>} : memref<256x128xf32, #tpu.memory_space<vmem>>, vector<1x16xf32>,
      %swap3A_261 = arith.index_cast %scan3A_225 : i32 to index
      %swap3A_262 = arith.constant 112 : index
      %swap3A_263 = tpu.vector_load %arg11[%swap3A_261, %swap3A_262] {strides = array<i32>} : memref<256x128xf32, #tpu.memory_space<vmem>>, vector<1x16xf32>,
      %swap3A_264 = vector.shape_cast %swap3A_263 : vector<1x16xf32> to vector<16xf32>
      %swap3A_265 = vector.shape_cast %get3A_77 : vector<16xf32> to vector<1x16xf32>
      tpu.vector_store %arg11[%swap3A_261, %swap3A_262], %swap3A_265 {strides = array<i32>} : memref<256x128xf32, #tpu.memory_space<vmem>>, vector<1x16xf32>,
      %scan3A_266 = arith.constant 3 : i32
      %scan3A_267 = arith.addi %scan3A_142, %scan3A_266 : i32
      %swap3A_268 = arith.index_cast %scan3A_267 : i32 to index
      %swap3A_269 = arith.constant 0 : index
      %swap3A_270 = tpu.vector_load %arg11[%swap3A_268, %swap3A_269] {strides = array<i32>} : memref<256x128xf32, #tpu.memory_space<vmem>>, vector<1x16xf32>,
      %swap3A_271 = vector.shape_cast %swap3A_270 : vector<1x16xf32> to vector<16xf32>
      %swap3A_272 = vector.shape_cast %get3A_42 : vector<16xf32> to vector<1x16xf32>
      tpu.vector_store %arg11[%swap3A_268, %swap3A_269], %swap3A_272 {strides = array<i32>} : memref<256x128xf32, #tpu.memory_space<vmem>>, vector<1x16xf32>,
      %swap3A_273 = arith.index_cast %scan3A_267 : i32 to index
      %swap3A_274 = arith.constant 16 : index
      %swap3A_275 = tpu.vector_load %arg11[%swap3A_273, %swap3A_274] {strides = array<i32>} : memref<256x128xf32, #tpu.memory_space<vmem>>, vector<1x16xf32>,
      %swap3A_276 = vector.shape_cast %swap3A_275 : vector<1x16xf32> to vector<16xf32>
      %swap3A_277 = vector.shape_cast %get3A_47 : vector<16xf32> to vector<1x16xf32>
      tpu.vector_store %arg11[%swap3A_273, %swap3A_274], %swap3A_277 {strides = array<i32>} : memref<256x128xf32, #tpu.memory_space<vmem>>, vector<1x16xf32>,
      %swap3A_278 = arith.index_cast %scan3A_267 : i32 to index
      %swap3A_279 = arith.constant 32 : index
      %swap3A_280 = tpu.vector_load %arg11[%swap3A_278, %swap3A_279] {strides = array<i32>} : memref<256x128xf32, #tpu.memory_space<vmem>>, vector<1x16xf32>,
      %swap3A_281 = vector.shape_cast %swap3A_280 : vector<1x16xf32> to vector<16xf32>
      %swap3A_282 = vector.shape_cast %get3A_52 : vector<16xf32> to vector<1x16xf32>
      tpu.vector_store %arg11[%swap3A_278, %swap3A_279], %swap3A_282 {strides = array<i32>} : memref<256x128xf32, #tpu.memory_space<vmem>>, vector<1x16xf32>,
      %swap3A_283 = arith.index_cast %scan3A_267 : i32 to index
      %swap3A_284 = arith.constant 48 : index
      %swap3A_285 = tpu.vector_load %arg11[%swap3A_283, %swap3A_284] {strides = array<i32>} : memref<256x128xf32, #tpu.memory_space<vmem>>, vector<1x16xf32>,
      %swap3A_286 = vector.shape_cast %swap3A_285 : vector<1x16xf32> to vector<16xf32>
      %swap3A_287 = vector.shape_cast %get3A_57 : vector<16xf32> to vector<1x16xf32>
      tpu.vector_store %arg11[%swap3A_283, %swap3A_284], %swap3A_287 {strides = array<i32>} : memref<256x128xf32, #tpu.memory_space<vmem>>, vector<1x16xf32>,
      %swap3A_288 = arith.index_cast %scan3A_267 : i32 to index
      %swap3A_289 = arith.constant 64 : index
      %swap3A_290 = tpu.vector_load %arg11[%swap3A_288, %swap3A_289] {strides = array<i32>} : memref<256x128xf32, #tpu.memory_space<vmem>>, vector<1x16xf32>,
      %swap3A_291 = vector.shape_cast %swap3A_290 : vector<1x16xf32> to vector<16xf32>
      %swap3A_292 = vector.shape_cast %get3A_62 : vector<16xf32> to vector<1x16xf32>
      tpu.vector_store %arg11[%swap3A_288, %swap3A_289], %swap3A_292 {strides = array<i32>} : memref<256x128xf32, #tpu.memory_space<vmem>>, vector<1x16xf32>,
      %swap3A_293 = arith.index_cast %scan3A_267 : i32 to index
      %swap3A_294 = arith.constant 80 : index
      %swap3A_295 = tpu.vector_load %arg11[%swap3A_293, %swap3A_294] {strides = array<i32>} : memref<256x128xf32, #tpu.memory_space<vmem>>, vector<1x16xf32>,
      %swap3A_296 = vector.shape_cast %swap3A_295 : vector<1x16xf32> to vector<16xf32>
      %swap3A_297 = vector.shape_cast %get3A_67 : vector<16xf32> to vector<1x16xf32>
      tpu.vector_store %arg11[%swap3A_293, %swap3A_294], %swap3A_297 {strides = array<i32>} : memref<256x128xf32, #tpu.memory_space<vmem>>, vector<1x16xf32>,
      %swap3A_298 = arith.index_cast %scan3A_267 : i32 to index
      %swap3A_299 = arith.constant 96 : index
      %swap3A_300 = tpu.vector_load %arg11[%swap3A_298, %swap3A_299] {strides = array<i32>} : memref<256x128xf32, #tpu.memory_space<vmem>>, vector<1x16xf32>,
      %swap3A_301 = vector.shape_cast %swap3A_300 : vector<1x16xf32> to vector<16xf32>
      %swap3A_302 = vector.shape_cast %get3A_72 : vector<16xf32> to vector<1x16xf32>
      tpu.vector_store %arg11[%swap3A_298, %swap3A_299], %swap3A_302 {strides = array<i32>} : memref<256x128xf32, #tpu.memory_space<vmem>>, vector<1x16xf32>,
      %swap3A_303 = arith.index_cast %scan3A_267 : i32 to index
      %swap3A_304 = arith.constant 112 : index
      %swap3A_305 = tpu.vector_load %arg11[%swap3A_303, %swap3A_304] {strides = array<i32>} : memref<256x128xf32, #tpu.memory_space<vmem>>, vector<1x16xf32>,
      %swap3A_306 = vector.shape_cast %swap3A_305 : vector<1x16xf32> to vector<16xf32>
      %swap3A_307 = vector.shape_cast %get3A_77 : vector<16xf32> to vector<1x16xf32>
      tpu.vector_store %arg11[%swap3A_303, %swap3A_304], %swap3A_307 {strides = array<i32>} : memref<256x128xf32, #tpu.memory_space<vmem>>, vector<1x16xf32>,
    }
    %scan3A_81 = arith.constant 256 : i32
    %dma_wait3A_82 = arith.constant 0 : i32
    %dma_wait3A_83 = arith.constant 0 : i32
    %dma_wait3A_84 = tpu.memref_slice %arg10[%dma_wait3A_82, %dma_wait3A_83] : memref<512x128xf32, #tpu.memory_space<vmem>> -> memref<128x128xf32, #tpu.memory_space<vmem>>
    %dma_wait3A_85 = arith.constant 0 : i32
    %dma_wait3A_86 = tpu.memref_slice %arg7[%dma_wait3A_85] : memref<512xi32, #tpu.memory_space<vmem>> -> memref<128xi32, #tpu.memory_space<vmem>>
    %dma_wait3A_87 = arith.constant 0 : i32
    %dma_wait3A_88 = arith.constant 0 : i32
    %dma_wait3A_89 = tpu.memref_slice %arg4[%dma_wait3A_87, %dma_wait3A_88] : memref<100000x128xf32, #tpu.memory_space<hbm>> -> memref<100000x128xf32, #tpu.memory_space<hbm>>
    tpu.wait_indirect_dma semaphore(%arg12 : memref<!tpu.dma_semaphore, #tpu.memory_space<semaphore_mem>>) src(%dma_wait3A_89 : memref<100000x128xf32, #tpu.memory_space<hbm>>) dst(%dma_wait3A_84 : memref<128x128xf32, #tpu.memory_space<vmem>>)
    %dma_wait3A_90 = arith.constant 128 : i32
    %dma_wait3A_91 = arith.constant 0 : i32
    %dma_wait3A_92 = tpu.memref_slice %arg10[%dma_wait3A_90, %dma_wait3A_91] : memref<512x128xf32, #tpu.memory_space<vmem>> -> memref<128x128xf32, #tpu.memory_space<vmem>>
    %dma_wait3A_93 = arith.constant 128 : i32
    %dma_wait3A_94 = tpu.memref_slice %arg7[%dma_wait3A_93] : memref<512xi32, #tpu.memory_space<vmem>> -> memref<128xi32, #tpu.memory_space<vmem>>
    %dma_wait3A_95 = arith.constant 0 : i32
    %dma_wait3A_96 = arith.constant 0 : i32
    %dma_wait3A_97 = tpu.memref_slice %arg4[%dma_wait3A_95, %dma_wait3A_96] : memref<100000x128xf32, #tpu.memory_space<hbm>> -> memref<100000x128xf32, #tpu.memory_space<hbm>>
    tpu.wait_indirect_dma semaphore(%arg12 : memref<!tpu.dma_semaphore, #tpu.memory_space<semaphore_mem>>) src(%dma_wait3A_97 : memref<100000x128xf32, #tpu.memory_space<hbm>>) dst(%dma_wait3A_92 : memref<128x128xf32, #tpu.memory_space<vmem>>)
    %dma_wait3A_98 = arith.constant 256 : i32
    %dma_wait3A_99 = arith.constant 0 : i32
    %dma_wait3A_100 = tpu.memref_slice %arg10[%dma_wait3A_98, %dma_wait3A_99] : memref<512x128xf32, #tpu.memory_space<vmem>> -> memref<128x128xf32, #tpu.memory_space<vmem>>
    %dma_wait3A_101 = arith.constant 256 : i32
    %dma_wait3A_102 = tpu.memref_slice %arg7[%dma_wait3A_101] : memref<512xi32, #tpu.memory_space<vmem>> -> memref<128xi32, #tpu.memory_space<vmem>>
    %dma_wait3A_103 = arith.constant 0 : i32
    %dma_wait3A_104 = arith.constant 0 : i32
    %dma_wait3A_105 = tpu.memref_slice %arg4[%dma_wait3A_103, %dma_wait3A_104] : memref<100000x128xf32, #tpu.memory_space<hbm>> -> memref<100000x128xf32, #tpu.memory_space<hbm>>
    tpu.wait_indirect_dma semaphore(%arg12 : memref<!tpu.dma_semaphore, #tpu.memory_space<semaphore_mem>>) src(%dma_wait3A_105 : memref<100000x128xf32, #tpu.memory_space<hbm>>) dst(%dma_wait3A_100 : memref<128x128xf32, #tpu.memory_space<vmem>>)
    %dma_wait3A_106 = arith.constant 384 : i32
    %dma_wait3A_107 = arith.constant 0 : i32
    %dma_wait3A_108 = tpu.memref_slice %arg10[%dma_wait3A_106, %dma_wait3A_107] : memref<512x128xf32, #tpu.memory_space<vmem>> -> memref<128x128xf32, #tpu.memory_space<vmem>>
    %dma_wait3A_109 = arith.constant 384 : i32
    %dma_wait3A_110 = tpu.memref_slice %arg7[%dma_wait3A_109] : memref<512xi32, #tpu.memory_space<vmem>> -> memref<128xi32, #tpu.memory_space<vmem>>
    %dma_wait3A_111 = arith.constant 0 : i32
    %dma_wait3A_112 = arith.constant 0 : i32
    %dma_wait3A_113 = tpu.memref_slice %arg4[%dma_wait3A_111, %dma_wait3A_112] : memref<100000x128xf32, #tpu.memory_space<hbm>> -> memref<100000x128xf32, #tpu.memory_space<hbm>>
    tpu.wait_indirect_dma semaphore(%arg12 : memref<!tpu.dma_semaphore, #tpu.memory_space<semaphore_mem>>) src(%dma_wait3A_113 : memref<100000x128xf32, #tpu.memory_space<hbm>>) dst(%dma_wait3A_108 : memref<128x128xf32, #tpu.memory_space<vmem>>)
    %dma_start3A_114 = arith.constant 0 : i32
    %dma_start3A_115 = tpu.memref_slice %arg6[%mul3A_2, %dma_start3A_114] : memref<16384x256xf32, #tpu.memory_space<hbm>> -> memref<512x128xf32, #tpu.memory_space<hbm>>
    %dma_start3A_116 = arith.constant 0 : i32
    %dma_start3A_117 = tpu.memref_slice %arg6[%mul3A_2, %dma_start3A_116] : memref<16384x256xf32, #tpu.memory_space<hbm>> -> memref<512x128xf32, #tpu.memory_space<hbm>>
    tpu.enqueue_dma source(%arg10 : memref<512x128xf32, #tpu.memory_space<vmem>>) target(%dma_start3A_117 : memref<512x128xf32, #tpu.memory_space<hbm>>) target_semaphore(%arg14 : memref<!tpu.dma_semaphore, #tpu.memory_space<semaphore_mem>>)
    %add3A_118 = arith.constant 0 : i32
    %add3A_119 = arith.addi %mul3A_2, %add3A_118 : i32
    %dma_start3A_120 = arith.constant 128 : i32
    %dma_start3A_121 = tpu.memref_slice %arg6[%add3A_119, %dma_start3A_120] : memref<16384x256xf32, #tpu.memory_space<hbm>> -> memref<256x128xf32, #tpu.memory_space<hbm>>
    %dma_start3A_122 = arith.constant 128 : i32
    %dma_start3A_123 = tpu.memref_slice %arg6[%add3A_119, %dma_start3A_122] : memref<16384x256xf32, #tpu.memory_space<hbm>> -> memref<256x128xf32, #tpu.memory_space<hbm>>
    tpu.enqueue_dma source(%arg11 : memref<256x128xf32, #tpu.memory_space<vmem>>) target(%dma_start3A_123 : memref<256x128xf32, #tpu.memory_space<hbm>>) target_semaphore(%arg14 : memref<!tpu.dma_semaphore, #tpu.memory_space<semaphore_mem>>)
    %add3A_124 = arith.constant 256 : i32
    %add3A_125 = arith.addi %mul3A_2, %add3A_124 : i32
    %dma_start3A_126 = arith.constant 128 : i32
    %dma_start3A_127 = tpu.memref_slice %arg6[%add3A_125, %dma_start3A_126] : memref<16384x256xf32, #tpu.memory_space<hbm>> -> memref<256x128xf32, #tpu.memory_space<hbm>>
    %dma_start3A_128 = arith.constant 128 : i32
    %dma_start3A_129 = tpu.memref_slice %arg6[%add3A_125, %dma_start3A_128] : memref<16384x256xf32, #tpu.memory_space<hbm>> -> memref<256x128xf32, #tpu.memory_space<hbm>>
    tpu.enqueue_dma source(%arg11 : memref<256x128xf32, #tpu.memory_space<vmem>>) target(%dma_start3A_129 : memref<256x128xf32, #tpu.memory_space<hbm>>) target_semaphore(%arg14 : memref<!tpu.dma_semaphore, #tpu.memory_space<semaphore_mem>>)
    %dma_wait3A_130 = arith.constant 0 : i32
    %dma_wait3A_131 = tpu.memref_slice %arg6[%mul3A_2, %dma_wait3A_130] : memref<16384x256xf32, #tpu.memory_space<hbm>> -> memref<512x128xf32, #tpu.memory_space<hbm>>
    %dma_wait3A_132 = arith.constant 0 : i32
    %dma_wait3A_133 = tpu.memref_slice %arg6[%mul3A_2, %dma_wait3A_132] : memref<16384x256xf32, #tpu.memory_space<hbm>> -> memref<512x128xf32, #tpu.memory_space<hbm>>
    tpu.wait_dma2 semaphore(%arg14 : memref<!tpu.dma_semaphore, #tpu.memory_space<semaphore_mem>>) src(%arg10 : memref<512x128xf32, #tpu.memory_space<vmem>>) dst(%dma_wait3A_133 : memref<512x128xf32, #tpu.memory_space<hbm>>)
    %dma_wait3A_134 = arith.constant 128 : i32
    %dma_wait3A_135 = tpu.memref_slice %arg6[%add3A_119, %dma_wait3A_134] : memref<16384x256xf32, #tpu.memory_space<hbm>> -> memref<256x128xf32, #tpu.memory_space<hbm>>
    %dma_wait3A_136 = arith.constant 128 : i32
    %dma_wait3A_137 = tpu.memref_slice %arg6[%add3A_119, %dma_wait3A_136] : memref<16384x256xf32, #tpu.memory_space<hbm>> -> memref<256x128xf32, #tpu.memory_space<hbm>>
    tpu.wait_dma2 semaphore(%arg14 : memref<!tpu.dma_semaphore, #tpu.memory_space<semaphore_mem>>) src(%arg11 : memref<256x128xf32, #tpu.memory_space<vmem>>) dst(%dma_wait3A_137 : memref<256x128xf32, #tpu.memory_space<hbm>>)
    %dma_wait3A_138 = arith.constant 128 : i32
    %dma_wait3A_139 = tpu.memref_slice %arg6[%add3A_125, %dma_wait3A_138] : memref<16384x256xf32, #tpu.memory_space<hbm>> -> memref<256x128xf32, #tpu.memory_space<hbm>>
    %dma_wait3A_140 = arith.constant 128 : i32
    %dma_wait3A_141 = tpu.memref_slice %arg6[%add3A_125, %dma_wait3A_140] : memref<16384x256xf32, #tpu.memory_space<hbm>> -> memref<256x128xf32, #tpu.memory_space<hbm>>
    tpu.wait_dma2 semaphore(%arg14 : memref<!tpu.dma_semaphore, #tpu.memory_space<semaphore_mem>>) src(%arg11 : memref<256x128xf32, #tpu.memory_space<vmem>>) dst(%dma_wait3A_141 : memref<256x128xf32, #tpu.memory_space<hbm>>)
    return
  }
}

</mosaic_0001>

<sc_bundles>
// kernel: kernel.3.cloned.1.call-start
scs
__scs_entry_jumppad:
0x0: {  	(pc) =	sbr.rel $0x88, $3  }
0x1: {  	(tag) =	ssettag $0x0;
	lr =	simm.s32 $0x1  }
0x2: {  	[smem:$0x3F9D] =	sst lr;
	_ =	strace $0xD0000000  }
0x3: {  	_ = 	snop  }
0x4: {  	_ = 	snop  }
0x5: {  	_ = 	snop  }
0x6: {  	_ = 	snop  }
0x7: {  	_ = 	snop  }
__scs_overlays_trampoline_lowered:
0x8: {  	[smem:$0x3FAC] =	sst s0  }
0x9: {  	[smem:$0x3FAD] =	sst s1  }
0xa: {  	[smem:$0x3FAE] =	sst s2  }
0xb: {  	[smem:$0x3FAF] =	sst s3  }
0xc: {  	[smem:$0x3FB0] =	sst s4  }
0xd: {  	[smem:$0x3FB1] =	sst s5  }
0xe: {  	[smem:$0x3FB2] =	sst s6  }
0xf: {  	[smem:$0x3FB3] =	sst s7  }
0x10: {  	[smem:$0x3FB4] =	sst s8  }
0x11: {  	[smem:$0x3FB5] =	sst s9;
	s0 =	simm.s32 @!p0 $0x0  }
0x12: {  	s1 =	sld [smem:$0x3F9B];
	s0 =	simm.s32 @p0 $0x1  }
0x13: {  	[smem:$0x3FB6] =	sst s0;
	s0 =	simm.s32 @!p1 $0x0  }
0x14: {  	s2 =	sld [smem:$0x3F9A];
	s0 =	simm.s32 @p1 $0x1  }
0x15: {  	[smem:$0x3FB7] =	sst s0;
	s0 =	simm.s32 @!p2 $0x0  }
0x16: {  	s3 =	sld [smem:$0x3FDB];
	s0 =	simm.s32 @p2 $0x1  }
0x17: {  	s4 =	simm.s32 $0x1BF5;
	[smem:$0x3FB9] =	sst s0  }
0x18: {  	s0 =	sld [smem:$0x3F9C];
	_ =	swait.ge [sflag:s4], $0x0  }
0x19: {  	s7 =	sld [smem:$0x3F9D]  }
0x1a: {  	s8 =	sadd.s32 $0xFFFFE003, lr  }
0x1b: {  	s9 =	sadd.s32 $0xFFFFFEF7, lr;
	s5 =	simm.s32 $0xFFFFFFFF;
	p2 =	slt.u32 s8, $0xFFFFF086  }
0x1c: {  	p1 =	slt.u32 s9, $0xF7A;
	s5 =	simm.s32 @!p2 $0x0  }
0x1d: {  	s5 =	simm.s32 @p1 $0x1;
	p0 =	seq.s32 s7, s2  }
0x1e: {  	s7 =	smul.u32 @!p0 $0xF7A, s2;
	p2 =	seq.s32 @!p0 s5, $0x0  }
0x1f: {  	s9 =	smul.u32 $0xF7A, s1;
	s8 =	simm.s32 @!p0 $0x1BF5;
	p2 =	por !p2, p0  }
0x20: {  	[sflag:s8] =	ssyncset.s32 @!p0 $0xFFFFF086;
	s6 =	sadd.s32 @!p0 s3, s7;
	s7 =	simm.s32 @!p0 $0x108  }
0x21: {  	s3 =	sadd.s32 s3, s9;
	s6 =	sadd.s32 @!p0 $0x88, s6;
	s7 =	simm.s32 @p2 $0x1082  }
0x22: {  	[simem:s7], [sflag:s8] =	dma.local @!p0 [hbm:s6], $0xF7A  }
0x23: {  	s9 =	sor.u32 $0xD0000000, s2;
	s6 =	simm.s32 $0x108;
	_ =	swait.ge @!p0 [sflag:s8], $0x0  }
0x24: {  	s3 =	sadd.s32 $0x88, s3;
	s6 =	simm.s32 @!p1 $0x1082;
	[sflag:s4] =	ssyncset.s32 $0xFFFFF086  }
0x25: {  	[simem:s6], [sflag:s4] =	dma.local [hbm:s3], $0xF7A  }
0x26: {  	[smem:$0x3F9D] =	sst s1;
	(tag) =	ssettag s2;
	_ =	strace s9  }
0x27: {  	s1 =	sld [smem:$0x3FAD]  }
0x28: {  	s2 =	sld [smem:$0x3FAE]  }
0x29: {  	s4 =	sld [smem:$0x3FB0]  }
0x2a: {  	p0 =	seq.s32 s5, $0x0;
	s5 =	sld [smem:$0x3FB1]  }
0x2b: {  	s6 =	sld [smem:$0x3FB2]  }
0x2c: {  	s7 =	sld [smem:$0x3FB3]  }
0x2d: {  	s3 =	simm.s32 $0x108;
	s8 =	sld [smem:$0x3FB4]  }
0x2e: {  	s3 =	simm.s32 @!p0 $0x1082;
	s9 =	sld [smem:$0x3FB5]  }
0x2f: {  	lr =	sadd.s32 s0, s3;
	s0 =	sld [smem:$0x3FAC]  }
0x30: {  	s3 =	sld [smem:$0x3FAF]  }
0x31: {  	[smem:$0x3FB8] =	sst s10  }
0x32: {  	s10 =	sld [smem:$0x3FB6];
	_ =	sdelay $0x3  }
0x33: {  	p0 =	seq.s32 s10, $0x1;
	s10 =	sld [smem:$0x3FB8];
	_ =	sdelay $0x3  }
0x34: {  	[smem:$0x3FB8] =	sst s10  }
0x35: {  	s10 =	sld [smem:$0x3FB7];
	_ =	sdelay $0x3  }
0x36: {  	p1 =	seq.s32 s10, $0x1;
	s10 =	sld [smem:$0x3FB8];
	_ =	sdelay $0x3  }
0x37: {  	[smem:$0x3FB8] =	sst s10  }
0x38: {  	s10 =	sld [smem:$0x3FB9]  }
0x39: {  	_ = 	snop;
	(pc) =	sbr.ind lr, $3  }
0x3a: {  	_ = 	snop  }
0x3b: {  	_ = 	snop  }
0x3c: {  	p2 =	seq.s32 s10, $0x1;
	s10 =	sld [smem:$0x3FB8]  }
0x3d: {  	_ =	shalt  }
0x3e: {  	_ =	shalt  }
0x3f: {  	_ =	shalt  }
0x40: {  	_ =	shalt  }
0x41: {  	_ =	shalt  }
0x42: {  	_ =	shalt  }
0x43: {  	_ =	shalt  }
0x44: {  	_ =	shalt  }
0x45: {  	_ =	shalt  }
0x46: {  	_ =	shalt  }
0x47: {  	_ =	shalt  }
0x48: {  	_ =	shalt  }
0x49: {  	_ =	shalt  }
0x4a: {  	_ =	shalt  }
0x4b: {  	_ =	shalt  }
0x4c: {  	_ =	shalt  }
0x4d: {  	_ =	shalt  }
0x4e: {  	_ =	shalt  }
0x4f: {  	_ =	shalt  }
0x50: {  	_ =	shalt  }
0x51: {  	_ =	shalt  }
0x52: {  	_ =	shalt  }
0x53: {  	_ =	shalt  }
0x54: {  	_ =	shalt  }
0x55: {  	_ =	shalt  }
0x56: {  	_ =	shalt  }
0x57: {  	_ =	shalt  }
0x58: {  	_ =	shalt  }
0x59: {  	_ =	shalt  }
0x5a: {  	_ =	shalt  }
0x5b: {  	_ =	shalt  }
0x5c: {  	_ =	shalt  }
0x5d: {  	_ =	shalt  }
0x5e: {  	_ =	shalt  }
0x5f: {  	_ =	shalt  }
0x60: {  	_ =	shalt  }
0x61: {  	_ =	shalt  }
0x62: {  	_ =	shalt  }
0x63: {  	_ =	shalt  }
0x64: {  	_ =	shalt  }
0x65: {  	_ =	shalt  }
0x66: {  	_ =	shalt  }
0x67: {  	_ =	shalt  }
0x68: {  	_ =	shalt  }
0x69: {  	_ =	shalt  }
0x6a: {  	_ =	shalt  }
0x6b: {  	_ =	shalt  }
0x6c: {  	_ =	shalt  }
0x6d: {  	_ =	shalt  }
0x6e: {  	_ =	shalt  }
0x6f: {  	_ =	shalt  }
0x70: {  	_ =	shalt  }
0x71: {  	_ =	shalt  }
0x72: {  	_ =	shalt  }
0x73: {  	_ =	shalt  }
0x74: {  	_ =	shalt  }
0x75: {  	_ =	shalt  }
0x76: {  	_ =	shalt  }
0x77: {  	_ =	shalt  }
0x78: {  	_ =	shalt  }
0x79: {  	_ =	shalt  }
0x7a: {  	_ =	shalt  }
0x7b: {  	_ =	shalt  }
0x7c: {  	_ =	shalt  }
0x7d: {  	_ =	shalt  }
0x7e: {  	_ =	shalt  }
0x7f: {  	_ =	shalt  }
0x80: {  	_ =	shalt  }
0x81: {  	_ =	shalt  }
0x82: {  	_ =	shalt  }
0x83: {  	_ =	shalt  }
0x84: {  	_ =	shalt  }
0x85: {  	_ =	shalt  }
0x86: {  	_ =	shalt  }
0x87: {  	_ =	shalt  }
.Lfunc_end0:
.L_simem_size_0:
called_computation_lowered:
.L_overlay_start_0:
0x88: {  	s2 =	sld [smem:$0x3FD9]  }
0x89: {  	s3 =	sld [smem:$0x3FFE];
	_ =	sdelay $0x1  }
0x8a: {  	s1 =	srdreg.scid  }
0x8b: {  	s0 =	sand.u32 $0x1, s1  }
0x8c: {  	s17 =	sshll.u32 s0, $0xA;
	s2 =	sadd.s32 s3, s2  }
0x8d: {  	s2 =	sadd.s32 s2, s17  }
0x8e: {  	[smem:$0x3FC4] =	sst s2  }
0x8f: {  	_ = 	snop  }
0x90: {  	s2 =	sld [smem:$0x3FC9]  }
0x91: {  	s18 =	sld [smem:$0x3FC7]  }
0x92: {  	s4 =	sld [smem:$0x3FC6]  }
0x93: {  	s5 =	sld [smem:$0x3FD0];
	(tm) =	ssettm $0x1  }
0x94: {  	s6 =	sld [smem:$0x3FFB];
	_ =	sdelay $0x3  }
0x95: {  	_ =	strace s6  }
0x96: {  	s6 =	sld [smem:$0x3FFC];
	_ =	sdelay $0x3  }
0x97: {  	_ =	strace s6  }
0x98: {  	s6 =	sld [smem:$0x3FFD];
	_ =	sdelay $0x3  }
0x99: {  	_ =	strace s6  }
0x9a: {  	_ =	strace $0x8FFFFFFF  }
0x9b: {  	s19 =	sld [smem:$0x3FDB];
	_ =	sdelay $0x1  }
0x9c: {  	s7 =	simm.s32 $_scs_section_size  }
0x9d: {  	s8 =	simm.s32 $_size__tile_overlayer_lowered;
	s9 =	simm.s32 $_tile_overlayer_lowered  }
0x9e: {  	s22 =	simm.s32 $0x1BFF;
	s21 =	sshll.u32 s9, $0x1;
	s6 =	sadd.s32 s7, s19  }
0x9f: {  	s10 =	simm.s32 $0x0;
	s20 =	sshll.u32 s8, $0x1;
	s8 =	sadd.s32 s21, s6  }
0xa0: {  	[timem:s10], [sflag:s22] =	dma.local [hbm:s8], s20  }
0xa1: {  	_ =	swait.ge [sflag:s22], s20  }
0xa2: {  	s7 =	ssub.s32 $0x0, s20;
	[sflag:s22] =	ssyncset.done $0x0  }
0xa3: {  	[sflag:s22] =	ssyncadd.s32 s7;
	_ =	sdelay $0x1  }
0xa4: {  	s23 =	simm.s32 $0x1B8B  }
0xa5: {  	_ =	swait.ge [sflag:s23], $0x1  }
0xa6: {  	[sflag:s23] =	ssyncset.done $0x0  }
0xa7: {  	s25 =	simm.s32 $0x1B8E;
	s24 =	sld [smem:$0x3FFE];
	[sflag:s23] =	ssyncadd.s32 $0xFFFFFFFF  }
0xa8: {  	s26 =	simm.s32 $execute0_lowered;
	[smem:$0x3FD2] =	sst s25  }
0xa9: {  	s8 =	sshll.u32 s26, $0x1;
	_ =	strace $0x80000046;
	[dreg:$0x1] =	wrdreg $0xFFFFFFFF  }
0xaa: {  	s28 =	simm.s32 $_size_execute0_lowered;
	s6 =	sadd.s32 s6, s8;
	[dreg:$0x0] =	wrdreg $0x0  }
0xab: {  	s8 =	sshll.u32 s28, $0x1;
	[dreg:$0x2] =	wrdreg s6  }
0xac: {  	[dreg:$0x3] =	wrdreg s8  }
0xad: {  	[dreg:$0x4] =	wrdreg $0xC0  }
0xae: {  	_ =	task [dreg:s10], $0x5FFFF  }
0xaf: {  	[dreg:$0x1] =	wrdreg $0xFFFFFFFF  }
0xb0: {  	[dreg:$0x0] =	wrdreg $0x60  }
0xb1: {  	[dreg:$0x2] =	wrdreg s2  }
0xb2: {  	[dreg:$0x3] =	wrdreg s24  }
0xb3: {  	[dreg:$0x4] =	wrdreg s18  }
0xb4: {  	[dreg:$0x5] =	wrdreg s4  }
0xb5: {  	[dreg:$0x6] =	wrdreg s5  }
0xb6: {  	[dreg:$0x7] =	wrdreg $0x9  }
0xb7: {  	_ =	task.clear_ibuf [dreg:s10], $0x8FFFF;
	_ =	strace $0x90000046  }
0xb8: {  	s29 =	simm.s32 $0x9;
	_ =	strace $0x80000048  }
0xb9: {  	_ =	swait.ge [sflag:s29], $0x1  }
0xba: {  	[sflag:s29] =	ssyncadd.s32 $0xFFFFFFFF  }
0xbb: {  	_ =	strace $0x90000048  }
0xbc: {  	_ =	sfence  }
0xbd: {  	s30 =	sld [smem:$0x0];
	_ =	sdelay $0x2  }
0xbe: {  	s31 =	sshll.u32 s1, $0xD;
	s1 =	sshrl.u32 s1, $0x2  }
0xbf: {  	s3 =	sand.u32 $0x4000, s31;
	s1 =	sadd.s32 s1, s30  }
0xc0: {  	s0 =	sor.u32 s3, s0;
	s1 =	sshll.u32 s1, $0x11  }
0xc1: {  	s0 =	sor.u32 s1, s0  }
0xc2: {  	s0 =	sadd.s32 $0x8F2B, s0  }
0xc3: {  	[sflag:s0] =	ssyncadd.remote.s32 $0x1  }
0xc4: {  	_ =	sfence.sel $0xFFFF  }
0xc5: {  	[dreg:$0x0] =	wrdreg $0xFFFFFFFF;
	(pc) =	sbr.abs _section_cstart, $3  }
0xc6: {  	[dreg:$0x1] =	wrdreg $0xFFFFFFFF  }
0xc7: {  	_ =	task.clear_ibuf [dreg:s10], $0x2FFFF;
	_ =	strace $0x9FFFFFFF  }
0xc8: {  	(tm) =	ssettm $0x7FFFFFFF  }
0xc9: {  	_ =	shalt  }
tec
execute0_lowered:
.L_overlay_start_1:
0x0: {  	(tag) =	ssettag $0x1  }
0x1: {  	s6 =	rddreg [dreg:$0x0]  }
0x2: {  	s5 =	rddreg [dreg:$0x1]  }
0x3: {  	s1 =	rddreg [dreg:$0x2]  }
0x4: {  	s2 =	rddreg [dreg:$0x3]  }
0x5: {  	s7 =	rddreg [dreg:$0x4]  }
0x6: {  	s0 =	rddreg [dreg:$0x5];
	s4 =	simm.s32 $0x0;
	s8 =	srdreg.scid  }
0x7: {  	s3 =	stileid.u32;
	s12 =	simm.s32 $0x200;
	s13 =	simm.s32 $0x80  }
0x8: {  	s14 =	simm.s32 $0x680;
	s15 =	simm.s32 $0x4680;
	s16 =	simm.s32 $0x100  }
0x9: {  	s17 =	simm.s32 $0x8680;
	s18 =	simm.s32 $0x180;
	s19 =	simm.s32 $0xC680  }
0xa: {  	s20 =	simm.s32 $0x8;
	s21 =	simm.s32 $0x280;
	s22 =	simm.s32 $0x2  }
0xb: {  	s23 =	simm.s32 $0x1;
	s24 =	simm.s32 $0x400;
	s25 =	simm.s32 $0x800  }
0xc: {  	s26 =	simm.s32 $0x10680;
	s28 =	simm.s32 $0x3;
	s29 =	simm.s32 $0x0  }
0xd: {  	[smem:$0x7FF] =	sst s4;
	s8 =	sand.u32 $0x1, s8;
	s9 =	sshll.u32 s3, $0xA  }
0xe: {  	s5 =	sadd.s32 $0x400, s5;
	s10 =	sshll.u32 s8, $0x9;
	s8 =	ssub.s32 $0x2, s8  }
0xf: {  	_ =	strace $0x80000047;
	s9 =	sor.u32 s10, s9;
	s31 =	sshrl.u32 s8, $0x1  }
0x10: {  	s11 =	sshrl.u32 s9, $0x3;
	s9 =	sshll.u32 s9, $0x5;
	s10 =	ssub.s32 s8, s31  }
0x11: {  	s6 =	sadd.s32 s6, s11;
	s7 =	sadd.s32 s7, s9;
	s10 =	smax.u32 s10, $0x1  }
0x12: {  	s11 =	simm.s32 $0x4;
	s8 =	sadd.s32 $0x80, s7;
	s9 =	sadd.s32 $0x2080, s7  }
.LBB2_1:
0x13: {  	[tilespmem:s4], [sflag:$0x4] =	stream.linear.gather [hbm4b:s6+s4], $0x200, $0x38;
	[tilespmem:$0x18680] =	vst v63  }
0x14: {  	_ =	swait.ge [sflag:s11], $0x200  }
0x15: {  	[sflag:s11] =	ssyncset.done $0x0  }
0x16: {  	[sflag:s11] =	ssyncadd.s32 $0xFFFFFE00  }
0x17: {  	[tilespmem:s12], [sflag:$0x4] =	stream.linear.gather [hbm4b:s5+s4], $0x80, $0x38;
	[tilespmem:$0x18680] =	vst v63  }
0x18: {  	_ =	swait.ge [sflag:s11], $0x80  }
0x19: {  	[sflag:s11] =	ssyncset.done $0x0  }
0x1a: {  	[sflag:s11] =	ssyncadd.s32 $0xFFFFFF80  }
0x1b: {  	[tilespmem:s14], [sflag:$0x1] =	stream.indirect.gather [hbm4b:s1+s13], $0x80, s4, s13, $0xb8;
	[tilespmem:$0x18680] =	vst v63  }
0x1c: {  	_ = 	snop  }
0x1d: {  	[tilespmem:s15], [sflag:$0x1] =	stream.indirect.gather [hbm4b:s1+s13], $0x80, s13, s13, $0xb8;
	[tilespmem:$0x18680] =	vst v63  }
0x1e: {  	_ = 	snop  }
0x1f: {  	[tilespmem:s17], [sflag:$0x1] =	stream.indirect.gather [hbm4b:s1+s13], $0x80, s16, s13, $0xb8;
	[tilespmem:$0x18680] =	vst v63  }
0x20: {  	_ = 	snop  }
0x21: {  	[tilespmem:s19], [sflag:$0x1] =	stream.indirect.gather [hbm4b:s1+s13], $0x80, s18, s13, $0xb8;
	[tilespmem:$0x18680] =	vst v63  }
0x22: {  	_ = 	snop  }
0x23: {  	[tilespmem:s21], [sflag:$0x2] =	stream.indirect.gather [hbm4b:s2+s20], $0x80, s12, s20, $0xb8;
	[tilespmem:$0x18680] =	vst v63  }
0x24: {  	_ =	swait.ge [sflag:s22], $0x400  }
0x25: {  	[sflag:s22] =	ssyncset.done $0x0  }
0x26: {  	[sflag:s22] =	ssyncadd.s32 $0xFFFFFC00  }
0x27: {  	v1 =	vld [tilespmem:$0x280]  }
0x28: {  	v0 =	vld [tilespmem:$0x290]  }
0x29: {  	v2 =	vld [tilespmem:$0x2A0]  }
0x2a: {  	v4 =	vld [tilespmem:$0x2F0]  }
0x2b: {  	v5 =	vld [tilespmem:$0x2E0]  }
0x2c: {  	v6 =	vld [tilespmem:$0x2D0]  }
0x2d: {  	s30 =	simm.s32 $0x10780;
	v7 =	vld [tilespmem:$0x2C0]  }
0x2e: {  	v3 =	vld [tilespmem:$0x2B0];
	[tilespmem:s30+$0xFFFFFF00] =	vst v1  }
0x2f: {  	[tilespmem:s30+$0xF0] =	vst v4  }
0x30: {  	[tilespmem:s30+$0xE0] =	vst v5  }
0x31: {  	[tilespmem:s30+$0xD0] =	vst v6  }
0x32: {  	[tilespmem:s30+$0xC0] =	vst v7  }
0x33: {  	[tilespmem:s30+$0xB0] =	vst v3  }
0x34: {  	[tilespmem:s30+$0xA0] =	vst v2  }
0x35: {  	[tilespmem:s30+$0x90] =	vst v0  }
0x36: {  	[tilespmem:s30+$0x80] =	vst v1  }
0x37: {  	[tilespmem:s30+$0x70] =	vst v4  }
0x38: {  	[tilespmem:s30+$0x60] =	vst v5  }
0x39: {  	[tilespmem:s30+$0x50] =	vst v6  }
0x3a: {  	[tilespmem:s30+$0x40] =	vst v7  }
0x3b: {  	[tilespmem:s30+$0x30] =	vst v3  }
0x3c: {  	[tilespmem:s30+$0x20] =	vst v2  }
0x3d: {  	[tilespmem:s30+$0x10] =	vst v0  }
0x3e: {  	[tilespmem:s30+$0x0] =	vst v1  }
0x3f: {  	[tilespmem:s30+$0xFFFFFFF0] =	vst v4  }
0x40: {  	[tilespmem:s30+$0xFFFFFFE0] =	vst v5  }
0x41: {  	[tilespmem:s30+$0xFFFFFFD0] =	vst v6  }
0x42: {  	[tilespmem:s30+$0xFFFFFFC0] =	vst v7  }
0x43: {  	[tilespmem:s30+$0xFFFFFFB0] =	vst v3  }
0x44: {  	[tilespmem:s30+$0xFFFFFFA0] =	vst v2  }
0x45: {  	[tilespmem:s30+$0xFFFFFF90] =	vst v0  }
0x46: {  	[tilespmem:s30+$0xFFFFFF80] =	vst v1  }
0x47: {  	[tilespmem:s30+$0xFFFFFF70] =	vst v4  }
0x48: {  	[tilespmem:s30+$0xFFFFFF60] =	vst v5  }
0x49: {  	[tilespmem:s30+$0xFFFFFF50] =	vst v6  }
0x4a: {  	[tilespmem:s30+$0xFFFFFF40] =	vst v7  }
0x4b: {  	[tilespmem:s30+$0xFFFFFF30] =	vst v3  }
0x4c: {  	s31 =	simm.s32 $0x0;
	[tilespmem:s30+$0xFFFFFF20] =	vst v2  }
.LBB2_2:
0x4d: {  	s31 =	sadd.s32 $0x4, s31;
	[tilespmem:s30+$0xFFFFFF10] =	vst v0;
	s30 =	sadd.s32 $0x200, s30  }
0x4e: {  	[tilespmem:s30+$0xFFFFFF00] =	vst v1;
	p0 =	slt.u32 s31, $0xFC  }
0x4f: {  	[tilespmem:s30+$0xF0] =	vst v4  }
0x50: {  	[tilespmem:s30+$0xE0] =	vst v5  }
0x51: {  	[tilespmem:s30+$0xD0] =	vst v6  }
0x52: {  	[tilespmem:s30+$0xC0] =	vst v7  }
0x53: {  	[tilespmem:s30+$0xB0] =	vst v3  }
0x54: {  	[tilespmem:s30+$0xA0] =	vst v2  }
0x55: {  	[tilespmem:s30+$0x90] =	vst v0  }
0x56: {  	[tilespmem:s30+$0x80] =	vst v1  }
0x57: {  	[tilespmem:s30+$0x70] =	vst v4  }
0x58: {  	[tilespmem:s30+$0x60] =	vst v5  }
0x59: {  	[tilespmem:s30+$0x50] =	vst v6  }
0x5a: {  	[tilespmem:s30+$0x40] =	vst v7  }
0x5b: {  	[tilespmem:s30+$0x30] =	vst v3  }
0x5c: {  	[tilespmem:s30+$0x20] =	vst v2  }
0x5d: {  	[tilespmem:s30+$0x10] =	vst v0  }
0x5e: {  	[tilespmem:s30+$0x0] =	vst v1  }
0x5f: {  	[tilespmem:s30+$0xFFFFFFF0] =	vst v4  }
0x60: {  	[tilespmem:s30+$0xFFFFFFE0] =	vst v5  }
0x61: {  	[tilespmem:s30+$0xFFFFFFD0] =	vst v6  }
0x62: {  	[tilespmem:s30+$0xFFFFFFC0] =	vst v7  }
0x63: {  	[tilespmem:s30+$0xFFFFFFB0] =	vst v3  }
0x64: {  	[tilespmem:s30+$0xFFFFFFA0] =	vst v2  }
0x65: {  	[tilespmem:s30+$0xFFFFFF90] =	vst v0  }
0x66: {  	[tilespmem:s30+$0xFFFFFF80] =	vst v1  }
0x67: {  	[tilespmem:s30+$0xFFFFFF70] =	vst v4  }
.Ltmp0:
0x68: {  	[tilespmem:s30+$0xFFFFFF60] =	vst v5;
	(pc) =	sbr.rel @p0 .LBB2_2-.Ltmp0, $4  }
0x69: {  	[tilespmem:s30+$0xFFFFFF50] =	vst v6  }
0x6a: {  	[tilespmem:s30+$0xFFFFFF40] =	vst v7  }
0x6b: {  	[tilespmem:s30+$0xFFFFFF30] =	vst v3  }
0x6c: {  	[tilespmem:s30+$0xFFFFFF20] =	vst v2  }
0x6d: {  	[tilespmem:s30+$0xFFFFFF10] =	vst v0  }
0x6e: {  	_ =	swait.ge [sflag:s23], $0x4000  }
0x6f: {  	[sflag:s23] =	ssyncset.done $0x0  }
0x70: {  	[sflag:s23] =	ssyncadd.s32 $0xFFFFC000  }
0x71: {  	_ =	swait.ge [sflag:s23], $0x4000  }
0x72: {  	[sflag:s23] =	ssyncset.done $0x0  }
0x73: {  	[sflag:s23] =	ssyncadd.s32 $0xFFFFC000  }
0x74: {  	_ =	swait.ge [sflag:s23], $0x4000  }
0x75: {  	[sflag:s23] =	ssyncset.done $0x0  }
0x76: {  	[sflag:s23] =	ssyncadd.s32 $0xFFFFC000  }
0x77: {  	_ =	swait.ge [sflag:s23], $0x4000  }
0x78: {  	[sflag:s23] =	ssyncset.done $0x0  }
0x79: {  	[sflag:s23] =	ssyncadd.s32 $0xFFFFC000  }
0x7a: {  	[hbm4b:s7+s24] =	stream.strided.scatter [tilespmem:s14], [sflag:$0x3], $0x10000, s25, s24, $0x38;
	[tilespmem:$0x18680] =	vst v63  }
0x7b: {  	_ = 	snop  }
0x7c: {  	[hbm4b:s8+s24] =	stream.strided.scatter [tilespmem:s26], [sflag:$0x3], $0x8000, s25, s24, $0x38;
	[tilespmem:$0x18680] =	vst v63  }
0x7d: {  	_ = 	snop  }
0x7e: {  	[hbm4b:s9+s24] =	stream.strided.scatter [tilespmem:s26], [sflag:$0x3], $0x8000, s25, s24, $0x38;
	[tilespmem:$0x18680] =	vst v63  }
0x7f: {  	_ =	swait.ge [sflag:s28], $0x10000  }
0x80: {  	[sflag:s28] =	ssyncset.done $0x0  }
0x81: {  	s29 =	sadd.s32 $0x1, s29;
	[sflag:s28] =	ssyncadd.s32 $0xFFFF0000  }
0x82: {  	p0 =	sne.s32 s29, s10;
	_ =	swait.ge [sflag:s28], $0x8000  }
.Ltmp1:
0x83: {  	[sflag:s28] =	ssyncset.done $0x0;
	(pc) =	sbr.rel @p0 .LBB2_1-.Ltmp1, $4  }
0x84: {  	[sflag:s28] =	ssyncadd.s32 $0xFFFF8000  }
0x85: {  	_ =	swait.ge [sflag:s28], $0x8000  }
0x86: {  	[sflag:s28] =	ssyncset.done $0x0  }
0x87: {  	[sflag:s28] =	ssyncadd.s32 $0xFFFF8000  }
0x88: {  	_ =	sfence.sel $0x180000  }
0x89: {  	[bflag:$0x0] =	sbarrier.arrive $0xFFFF  }
0x8a: {  	p0 =	sne.s32 s3, $0x0;
	_ =	strace $0x90000047  }
0x8b: {  	s0 =	sadd.s32 @!p0 $0x100000, s0;
	[bflag:$0x2] =	sbarrier.arrive $0xFFFF  }
0x8c: {  	[sflag:s0] =	ssyncadd.tile.s32 @!p0 $0x1;
	_ =	shalt  }
.Lfunc_end2:
_tile_overlayer_lowered:
.L_overlay_start_2:
0x8d: {  	(tag) =	ssettag $0x2  }
0x8e: {  	s0 =	rddreg [dreg:$0x0];
	s2 =	stileid.u32  }
0x8f: {  	s1 =	rddreg [dreg:$0x1];
	p0 =	sne.s32 s2, $0x0  }
0x90: {  	s3 =	rddreg [dreg:$0x2];
	[bflag:$0x3] =	sbarrier.arrive $0xFFFF;
	s2 =	simm.s32 @!p0 $0x1C04  }
0x91: {  	[timem:s3], [sflag:s2] =	dma.local @!p0 [hbm:s0], s1  }
0x92: {  	s0 =	simm.s32 @!p0 $0x4  }
0x93: {  	_ =	swait.ge @!p0 [sflag:s0], s1  }
0x94: {  	s1 =	ssub.s32 @!p0 $0x0, s1;
	[sflag:s0] =	ssyncset.done @!p0 $0x0  }
0x95: {  	[sflag:s0] =	ssyncadd.s32 @!p0 s1  }
0x96: {  	[bflag:$0x3] =	sbarrier.arrive $0xFFFF  }
0x97: {  	_ =	shalt  }

</sc_bundles>
